<compile_context>
chip_gen: v7x
topology: tpu7x:2x2x1
jax: 0.10.2.dev20260603
libtpu: 0.0.44.dev20260713+nightly
codegen_flags: <defaults>
</compile_context>

<pallas_src>
import jax
import jax.numpy as jnp
from jax import lax
from jax.experimental import pallas as pl
from jax.experimental.pallas import tpu as pltpu
from jax.experimental.pallas import tpu_sc as plsc

B = 16384
F = 26
FD = 13
VOCAB = 100000

NC = 2
NS = 16
NW = NC * NS
BPW = B // NW
L = 16
NIDX = BPW * F
CH = 128
NGC = NIDX // CH
JS = BPW // L


def _sc_body(idx_hbm, mxt_hbm, dnt_hbm, tab_hbm, dwr_hbm, br_hbm, out_hbm,
             idx_v, val_v, mx_v, dn_v, dwr_v, br_v, acc_v, sem):
    wid = lax.axis_index("s") * NC + lax.axis_index("c")
    row0 = wid * BPW

    pltpu.sync_copy(idx_hbm.at[pl.ds(wid * NIDX, NIDX)], idx_v)

    def fire(g, carry):
        sl = pl.ds(g * CH, CH)
        pltpu.async_copy(tab_hbm.at[idx_v.at[sl]], val_v.at[sl], sem)
        return carry

    lax.fori_loop(0, NGC, fire, 0)

    pltpu.sync_copy(mxt_hbm.at[:, pl.ds(row0, BPW)], mx_v)
    pltpu.sync_copy(dnt_hbm.at[:, pl.ds(row0, BPW)], dn_v)
    pltpu.sync_copy(dwr_hbm, dwr_v)
    pltpu.sync_copy(br_hbm, br_v)

    def drain(g, carry):
        sl = pl.ds(0, CH)
        pltpu.make_async_copy(tab_hbm.at[idx_v.at[sl]], val_v.at[sl],
                              sem).wait()
        return carry

    lax.fori_loop(0, NGC, drain, 0)

    brv = br_v[...]

    def jstep(j, carry):
        col = j * L

        def facc(f, a):
            return a + val_v[pl.ds(f * BPW + col, L)] * mx_v[f, pl.ds(col, L)]

        acc = lax.fori_loop(0, F, facc, brv)

        def dacc(f, a):
            return a + dn_v[f, pl.ds(col, L)] * dwr_v[pl.ds(f * L, L)]

        acc = lax.fori_loop(0, FD, dacc, acc)
        acc_v[pl.ds(col, L)] = acc
        return carry

    lax.fori_loop(0, JS, jstep, 0)

    pltpu.sync_copy(acc_v, out_hbm.at[pl.ds(row0, BPW)])


@jax.jit
def _sc_call(idx_r, mxt, dnt, tab, dwr, br):
    mesh = plsc.VectorSubcoreMesh(core_axis_name="c", subcore_axis_name="s")
    return pl.kernel(
        _sc_body,
        out_type=jax.ShapeDtypeStruct((B,), jnp.float32),
        mesh=mesh,
        scratch_types=[
            pltpu.VMEM((NIDX,), jnp.int32),
            pltpu.VMEM((NIDX,), jnp.float32),
            pltpu.VMEM((F, BPW), jnp.float32),
            pltpu.VMEM((FD, BPW), jnp.float32),
            pltpu.VMEM((FD * L,), jnp.float32),
            pltpu.VMEM((L,), jnp.float32),
            pltpu.VMEM((BPW,), jnp.float32),
            pltpu.SemaphoreType.DMA,
        ],
    )(idx_r, mxt, dnt, tab, dwr, br)


def kernel(sparse_idx, mx, dense_vals, sparse_table, dense_w, b):
    si = sparse_idx.astype(jnp.int32)
    flat = si + (jnp.arange(F, dtype=jnp.int32) * VOCAB)[None, :]
    idx_r = flat.reshape(NW, BPW, F).transpose(0, 2, 1).reshape(-1)
    mxt = mx.T
    dnt = dense_vals.T
    tab = sparse_table.reshape(-1)
    dwr = jnp.broadcast_to(dense_w[:, None], (FD, L)).reshape(-1)
    br = jnp.broadcast_to(b, (L,)).astype(jnp.float32)
    return _sc_call(idx_r, mxt, dnt, tab, dwr, br)

# --- scband reference (transcript-rebuilt; emitter-appended) ---
"""Pipeline reference for scband-ifmlinear-54417235640743 (READ-ONLY COPY).

The authoritative reference and input builder live on the scoring server;
editing this copy changes nothing except your own understanding.
"""

import jax, jax.numpy as jnp
import numpy as np

B = 16384
F_SPARSE = 26
F_DENSE = 13
VOCAB = 100000


def setup_inputs(seed: int = 0) -> dict:
    key = jax.random.key(seed)
    k1, k2, k3, k4, k5 = jax.random.split(key, 5)
    # forward inputs: per-field sparse indices packed as [B, F_SPARSE] (column f = dict entry 's{f}')
    sparse_idx = jax.random.randint(k1, (B, F_SPARSE), 0, VOCAB)
    mx = jax.random.uniform(k2, (B, F_SPARSE), dtype=jnp.float32)
    # dense features packed as [B, F_DENSE] (column f = dict entry 'd{f}')
    dense_vals = jax.random.normal(k3, (B, F_DENSE), dtype=jnp.float32)
    # learned params: each nn.Embedding(vocab, 1) flattened into row f of [F_SPARSE, VOCAB]
    sparse_table = jax.random.normal(k4, (F_SPARSE, VOCAB), dtype=jnp.float32) * 0.01
    # each dense nn.Embedding(1, 1) is a single scalar weight per dense field
    dense_w = jax.random.normal(k5, (F_DENSE,), dtype=jnp.float32) * 0.01
    b = jnp.zeros((1,), dtype=jnp.float32)
    return {"sparse_idx": sparse_idx, "mx": mx, "dense_vals": dense_vals,
            "sparse_table": sparse_table, "dense_w": dense_w, "b": b}


def reference(sparse_idx, mx, dense_vals, sparse_table, dense_w, b):
    # sparse_x: per-field embedding lookup (dim=1), concatenated -> [B, F_SPARSE]
    field_ids = jnp.arange(F_SPARSE)[None, :]            # [1, F_SPARSE]
    sparse_x = sparse_table[field_ids, sparse_idx]       # gather -> [B, F_SPARSE]
    sparse_x = sparse_x * mx                             # [B, F_SPARSE]
    # dense_x: x.unsqueeze(1) * dense_weight[feat](0) concatenated -> [B, F_DENSE]
    dense_x = dense_vals * dense_w[None, :]              # [B, F_DENSE]
    # out = sum(cat([sparse_x, dense_x], -1), dim=1) + b, then squeeze
    out = jnp.sum(sparse_x, axis=1) + jnp.sum(dense_x, axis=1) + b[0]
    return out  # [B]

if __name__ == "__main__":
    import jax
    _d = setup_inputs()
    print(jax.jit(kernel)(*tuple(_d.values())))

</pallas_src>

<mosaic_0001>
#map = affine_map<(d0, d1) -> (0)>
#map1 = affine_map<(d0, d1) -> (0, 0)>
module attributes {stable_mosaic.version = 14 : i64} {
  func.func @_sc_body(%arg0: i32, %arg1: i32, %arg2: memref<425984xi32, #tpu.memory_space<hbm>>, %arg3: memref<26x16384xf32, #tpu.memory_space<hbm>>, %arg4: memref<13x16384xf32, #tpu.memory_space<hbm>>, %arg5: memref<2600000xf32, #tpu.memory_space<hbm>>, %arg6: memref<208xf32, #tpu.memory_space<hbm>>, %arg7: memref<16xf32, #tpu.memory_space<hbm>>, %arg8: memref<16384xf32, #tpu.memory_space<hbm>>, %arg9: memref<13312xi32, #tpu.memory_space<vmem>>, %arg10: memref<13312xf32, #tpu.memory_space<vmem>>, %arg11: memref<26x512xf32, #tpu.memory_space<vmem>>, %arg12: memref<13x512xf32, #tpu.memory_space<vmem>>, %arg13: memref<208xf32, #tpu.memory_space<vmem>>, %arg14: memref<16xf32, #tpu.memory_space<vmem>>, %arg15: memref<512xf32, #tpu.memory_space<vmem>>, %arg16: memref<!tpu.dma_semaphore, #tpu.memory_space<semaphore_mem>>) attributes {dimension_semantics = [#tpu.dimension_semantics<core_parallel>, #tpu.dimension_semantics<subcore_parallel>], iteration_bounds = array<i64: 2, 16>, scalar_prefetch = 0 : i64, scratch_operands = 8 : i64, tpu.core_type = #tpu.core_type<sc_vector_subcore>, window_params = [{transform_indices = #map}, {transform_indices = #map1}, {transform_indices = #map1}, {transform_indices = #map}, {transform_indices = #map}, {transform_indices = #map}, {transform_indices = #map}]} {
    %mul3A = arith.constant 2 : i32
    %mul3A_0 = arith.muli %arg1, %mul3A : i32
    %add3A = arith.addi %mul3A_0, %arg0 : i32
    %mul3A_1 = arith.constant 512 : i32
    %mul3A_2 = arith.muli %add3A, %mul3A_1 : i32
    %mul3A_3 = arith.constant 13312 : i32
    %mul3A_4 = arith.muli %add3A, %mul3A_3 : i32
    "tpu.region"() ({
      %run_scoped3A = tpu.sem_alloc : memref<!tpu.dma_semaphore, #tpu.memory_space<semaphore_mem>>
      %dma_start3A = tpu.memref_slice %arg2[%mul3A_4] : memref<425984xi32, #tpu.memory_space<hbm>> -> memref<13312xi32, #tpu.memory_space<hbm>>
      %dma_start3A_24 = tpu.memref_slice %arg2[%mul3A_4] : memref<425984xi32, #tpu.memory_space<hbm>> -> memref<13312xi32, #tpu.memory_space<hbm>>
      tpu.enqueue_dma source(%dma_start3A_24 : memref<13312xi32, #tpu.memory_space<hbm>>) target(%arg9 : memref<13312xi32, #tpu.memory_space<vmem>>) target_semaphore(%run_scoped3A : memref<!tpu.dma_semaphore, #tpu.memory_space<semaphore_mem>>)
      %dma_wait3A = tpu.memref_slice %arg2[%mul3A_4] : memref<425984xi32, #tpu.memory_space<hbm>> -> memref<13312xi32, #tpu.memory_space<hbm>>
      %dma_wait3A_25 = tpu.memref_slice %arg2[%mul3A_4] : memref<425984xi32, #tpu.memory_space<hbm>> -> memref<13312xi32, #tpu.memory_space<hbm>>
      tpu.wait_dma2 semaphore(%run_scoped3A : memref<!tpu.dma_semaphore, #tpu.memory_space<semaphore_mem>>) src(%dma_wait3A_25 : memref<13312xi32, #tpu.memory_space<hbm>>) dst(%arg9 : memref<13312xi32, #tpu.memory_space<vmem>>)
      tpu.yield
    }) : () -> ()
    %scan3A = arith.constant 0 : i32
    %scan3A_5 = arith.constant 0 : i32
    %scan3A_6 = arith.constant 104 : i32
    %scan3A_7 = arith.addi %scan3A_5, %scan3A_6 : i32
    %scan3A_8 = arith.constant 1 : i32
    scf.for %scan3A_24 = %scan3A_5 to %scan3A_7 step %scan3A_8  : i32 {
      %mul3A_25 = arith.constant 128 : i32
      %mul3A_26 = arith.muli %scan3A_24, %mul3A_25 : i32
      %dma_start3A = tpu.memref_slice %arg10[%mul3A_26] : memref<13312xf32, #tpu.memory_space<vmem>> -> memref<128xf32, #tpu.memory_space<vmem>>
      %dma_start3A_27 = tpu.memref_slice %arg9[%mul3A_26] : memref<13312xi32, #tpu.memory_space<vmem>> -> memref<128xi32, #tpu.memory_space<vmem>>
      %dma_start3A_28 = arith.constant 0 : i32
      %dma_start3A_29 = tpu.memref_slice %arg5[%dma_start3A_28] : memref<2600000xf32, #tpu.memory_space<hbm>> -> memref<2600000xf32, #tpu.memory_space<hbm>>
      tpu.enqueue_indirect_dma source(%dma_start3A_29 : memref<2600000xf32, #tpu.memory_space<hbm>>) target(%dma_start3A : memref<128xf32, #tpu.memory_space<vmem>>) offsets(%dma_start3A_27 : memref<128xi32, #tpu.memory_space<vmem>>) semaphore(%arg16 : memref<!tpu.dma_semaphore, #tpu.memory_space<semaphore_mem>>)
    }
    %scan3A_9 = arith.constant 104 : i32
    "tpu.region"() ({
      %run_scoped3A = tpu.sem_alloc : memref<!tpu.dma_semaphore, #tpu.memory_space<semaphore_mem>>
      %dma_start3A = arith.constant 0 : i32
      %dma_start3A_24 = tpu.memref_slice %arg3[%dma_start3A, %mul3A_2] : memref<26x16384xf32, #tpu.memory_space<hbm>> -> memref<26x512xf32, #tpu.memory_space<hbm>>
      %dma_start3A_25 = arith.constant 0 : i32
      %dma_start3A_26 = tpu.memref_slice %arg3[%dma_start3A_25, %mul3A_2] : memref<26x16384xf32, #tpu.memory_space<hbm>> -> memref<26x512xf32, #tpu.memory_space<hbm>>
      tpu.enqueue_dma source(%dma_start3A_26 : memref<26x512xf32, #tpu.memory_space<hbm>>) target(%arg11 : memref<26x512xf32, #tpu.memory_space<vmem>>) target_semaphore(%run_scoped3A : memref<!tpu.dma_semaphore, #tpu.memory_space<semaphore_mem>>)
      %dma_wait3A = arith.constant 0 : i32
      %dma_wait3A_27 = tpu.memref_slice %arg3[%dma_wait3A, %mul3A_2] : memref<26x16384xf32, #tpu.memory_space<hbm>> -> memref<26x512xf32, #tpu.memory_space<hbm>>
      %dma_wait3A_28 = arith.constant 0 : i32
      %dma_wait3A_29 = tpu.memref_slice %arg3[%dma_wait3A_28, %mul3A_2] : memref<26x16384xf32, #tpu.memory_space<hbm>> -> memref<26x512xf32, #tpu.memory_space<hbm>>
      tpu.wait_dma2 semaphore(%run_scoped3A : memref<!tpu.dma_semaphore, #tpu.memory_space<semaphore_mem>>) src(%dma_wait3A_29 : memref<26x512xf32, #tpu.memory_space<hbm>>) dst(%arg11 : memref<26x512xf32, #tpu.memory_space<vmem>>)
      tpu.yield
    }) : () -> ()
    "tpu.region"() ({
      %run_scoped3A = tpu.sem_alloc : memref<!tpu.dma_semaphore, #tpu.memory_space<semaphore_mem>>
      %dma_start3A = arith.constant 0 : i32
      %dma_start3A_24 = tpu.memref_slice %arg4[%dma_start3A, %mul3A_2] : memref<13x16384xf32, #tpu.memory_space<hbm>> -> memref<13x512xf32, #tpu.memory_space<hbm>>
      %dma_start3A_25 = arith.constant 0 : i32
      %dma_start3A_26 = tpu.memref_slice %arg4[%dma_start3A_25, %mul3A_2] : memref<13x16384xf32, #tpu.memory_space<hbm>> -> memref<13x512xf32, #tpu.memory_space<hbm>>
      tpu.enqueue_dma source(%dma_start3A_26 : memref<13x512xf32, #tpu.memory_space<hbm>>) target(%arg12 : memref<13x512xf32, #tpu.memory_space<vmem>>) target_semaphore(%run_scoped3A : memref<!tpu.dma_semaphore, #tpu.memory_space<semaphore_mem>>)
      %dma_wait3A = arith.constant 0 : i32
      %dma_wait3A_27 = tpu.memref_slice %arg4[%dma_wait3A, %mul3A_2] : memref<13x16384xf32, #tpu.memory_space<hbm>> -> memref<13x512xf32, #tpu.memory_space<hbm>>
      %dma_wait3A_28 = arith.constant 0 : i32
      %dma_wait3A_29 = tpu.memref_slice %arg4[%dma_wait3A_28, %mul3A_2] : memref<13x16384xf32, #tpu.memory_space<hbm>> -> memref<13x512xf32, #tpu.memory_space<hbm>>
      tpu.wait_dma2 semaphore(%run_scoped3A : memref<!tpu.dma_semaphore, #tpu.memory_space<semaphore_mem>>) src(%dma_wait3A_29 : memref<13x512xf32, #tpu.memory_space<hbm>>) dst(%arg12 : memref<13x512xf32, #tpu.memory_space<vmem>>)
      tpu.yield
    }) : () -> ()
    "tpu.region"() ({
      %run_scoped3A = tpu.sem_alloc : memref<!tpu.dma_semaphore, #tpu.memory_space<semaphore_mem>>
      tpu.enqueue_dma source(%arg6 : memref<208xf32, #tpu.memory_space<hbm>>) target(%arg13 : memref<208xf32, #tpu.memory_space<vmem>>) target_semaphore(%run_scoped3A : memref<!tpu.dma_semaphore, #tpu.memory_space<semaphore_mem>>)
      tpu.wait_dma2 semaphore(%run_scoped3A : memref<!tpu.dma_semaphore, #tpu.memory_space<semaphore_mem>>) src(%arg6 : memref<208xf32, #tpu.memory_space<hbm>>) dst(%arg13 : memref<208xf32, #tpu.memory_space<vmem>>)
      tpu.yield
    }) : () -> ()
    "tpu.region"() ({
      %run_scoped3A = tpu.sem_alloc : memref<!tpu.dma_semaphore, #tpu.memory_space<semaphore_mem>>
      tpu.enqueue_dma source(%arg7 : memref<16xf32, #tpu.memory_space<hbm>>) target(%arg14 : memref<16xf32, #tpu.memory_space<vmem>>) target_semaphore(%run_scoped3A : memref<!tpu.dma_semaphore, #tpu.memory_space<semaphore_mem>>)
      tpu.wait_dma2 semaphore(%run_scoped3A : memref<!tpu.dma_semaphore, #tpu.memory_space<semaphore_mem>>) src(%arg7 : memref<16xf32, #tpu.memory_space<hbm>>) dst(%arg14 : memref<16xf32, #tpu.memory_space<vmem>>)
      tpu.yield
    }) : () -> ()
    %scan3A_10 = arith.constant 0 : i32
    %scan3A_11 = arith.constant 0 : i32
    %scan3A_12 = arith.constant 104 : i32
    %scan3A_13 = arith.addi %scan3A_11, %scan3A_12 : i32
    %scan3A_14 = arith.constant 1 : i32
    scf.for %scan3A_24 = %scan3A_11 to %scan3A_13 step %scan3A_14  : i32 {
      %dma_wait3A = arith.constant 0 : i32
      %dma_wait3A_25 = tpu.memref_slice %arg10[%dma_wait3A] : memref<13312xf32, #tpu.memory_space<vmem>> -> memref<128xf32, #tpu.memory_space<vmem>>
      %dma_wait3A_26 = arith.constant 0 : i32
      %dma_wait3A_27 = tpu.memref_slice %arg9[%dma_wait3A_26] : memref<13312xi32, #tpu.memory_space<vmem>> -> memref<128xi32, #tpu.memory_space<vmem>>
      %dma_wait3A_28 = arith.constant 0 : i32
      %dma_wait3A_29 = tpu.memref_slice %arg5[%dma_wait3A_28] : memref<2600000xf32, #tpu.memory_space<hbm>> -> memref<2600000xf32, #tpu.memory_space<hbm>>
      tpu.wait_indirect_dma semaphore(%arg16 : memref<!tpu.dma_semaphore, #tpu.memory_space<semaphore_mem>>) src(%dma_wait3A_29 : memref<2600000xf32, #tpu.memory_space<hbm>>) dst(%dma_wait3A_25 : memref<128xf32, #tpu.memory_space<vmem>>)
    }
    %scan3A_15 = arith.constant 104 : i32
    %get3A = arith.constant 0 : index
    %get3A_16 = tpu.vector_load %arg14[%get3A] {strides = array<i32>} : memref<16xf32, #tpu.memory_space<vmem>>, vector<16xf32>,
    %get3A_17 = vector.shape_cast %get3A_16 : vector<16xf32> to vector<16xf32>
    %scan3A_18 = arith.constant 0 : i32
    %scan3A_19 = arith.constant 0 : i32
    %scan3A_20 = arith.constant 32 : i32
    %scan3A_21 = arith.addi %scan3A_19, %scan3A_20 : i32
    %scan3A_22 = arith.constant 1 : i32
    scf.for %scan3A_24 = %scan3A_19 to %scan3A_21 step %scan3A_22  : i32 {
      %mul3A_25 = arith.constant 16 : i32
      %mul3A_26 = arith.muli %scan3A_24, %mul3A_25 : i32
      %scan3A_27 = arith.constant 0 : i32
      %scan3A_28 = arith.constant 26 : i32
      %scan3A_29 = arith.addi %scan3A_27, %scan3A_28 : i32
      %scan3A_30 = arith.constant 1 : i32
      %scan3A_31 = scf.for %scan3A_42 = %scan3A_27 to %scan3A_29 step %scan3A_30 iter_args(%scan3A_43 = %get3A_17) -> (vector<16xf32>)  : i32 {
        %mul3A_44 = arith.constant 512 : i32
        %mul3A_45 = arith.muli %scan3A_42, %mul3A_44 : i32
        %add3A_46 = arith.addi %mul3A_45, %mul3A_26 : i32
        %get3A_47 = arith.index_cast %add3A_46 : i32 to index
        %get3A_48 = tpu.vector_load %arg10[%get3A_47] {strides = array<i32>} : memref<13312xf32, #tpu.memory_space<vmem>>, vector<16xf32>,
        %get3A_49 = vector.shape_cast %get3A_48 : vector<16xf32> to vector<16xf32>
        %get3A_50 = arith.index_cast %scan3A_42 : i32 to index
        %get3A_51 = arith.index_cast %mul3A_26 : i32 to index
        %get3A_52 = tpu.vector_load %arg11[%get3A_50, %get3A_51] {strides = array<i32>} : memref<26x512xf32, #tpu.memory_space<vmem>>, vector<1x16xf32>,
        %get3A_53 = vector.shape_cast %get3A_52 : vector<1x16xf32> to vector<16xf32>
        %mul3A_54 = arith.mulf %get3A_49, %get3A_53 : vector<16xf32>
        %add3A_55 = arith.addf %scan3A_43, %mul3A_54 : vector<16xf32>
        scf.yield %add3A_55 : vector<16xf32>
      }
      %scan3A_32 = arith.constant 26 : i32
      %scan3A_33 = arith.constant 0 : i32
      %scan3A_34 = arith.constant 13 : i32
      %scan3A_35 = arith.addi %scan3A_33, %scan3A_34 : i32
      %scan3A_36 = arith.constant 1 : i32
      %scan3A_37 = scf.for %scan3A_42 = %scan3A_33 to %scan3A_35 step %scan3A_36 iter_args(%scan3A_43 = %scan3A_31) -> (vector<16xf32>)  : i32 {
        %get3A_44 = arith.index_cast %scan3A_42 : i32 to index
        %get3A_45 = arith.index_cast %mul3A_26 : i32 to index
        %get3A_46 = tpu.vector_load %arg12[%get3A_44, %get3A_45] {strides = array<i32>} : memref<13x512xf32, #tpu.memory_space<vmem>>, vector<1x16xf32>,
        %get3A_47 = vector.shape_cast %get3A_46 : vector<1x16xf32> to vector<16xf32>
        %mul3A_48 = arith.constant 16 : i32
        %mul3A_49 = arith.muli %scan3A_42, %mul3A_48 : i32
        %get3A_50 = arith.index_cast %mul3A_49 : i32 to index
        %get3A_51 = tpu.vector_load %arg13[%get3A_50] {strides = array<i32>} : memref<208xf32, #tpu.memory_space<vmem>>, vector<16xf32>,
        %get3A_52 = vector.shape_cast %get3A_51 : vector<16xf32> to vector<16xf32>
        %mul3A_53 = arith.mulf %get3A_47, %get3A_52 : vector<16xf32>
        %add3A_54 = arith.addf %scan3A_43, %mul3A_53 : vector<16xf32>
        scf.yield %add3A_54 : vector<16xf32>
      }
      %scan3A_38 = arith.constant 13 : i32
      %swap3A = arith.index_cast %mul3A_26 : i32 to index
      %swap3A_39 = tpu.vector_load %arg15[%swap3A] {strides = array<i32>} : memref<512xf32, #tpu.memory_space<vmem>>, vector<16xf32>,
      %swap3A_40 = vector.shape_cast %swap3A_39 : vector<16xf32> to vector<16xf32>
      %swap3A_41 = vector.shape_cast %scan3A_37 : vector<16xf32> to vector<16xf32>
      tpu.vector_store %arg15[%swap3A], %swap3A_41 {strides = array<i32>} : memref<512xf32, #tpu.memory_space<vmem>>, vector<16xf32>,
    }
    %scan3A_23 = arith.constant 32 : i32
    "tpu.region"() ({
      %run_scoped3A = tpu.sem_alloc : memref<!tpu.dma_semaphore, #tpu.memory_space<semaphore_mem>>
      %dma_start3A = tpu.memref_slice %arg8[%mul3A_2] : memref<16384xf32, #tpu.memory_space<hbm>> -> memref<512xf32, #tpu.memory_space<hbm>>
      %dma_start3A_24 = tpu.memref_slice %arg8[%mul3A_2] : memref<16384xf32, #tpu.memory_space<hbm>> -> memref<512xf32, #tpu.memory_space<hbm>>
      tpu.enqueue_dma source(%arg15 : memref<512xf32, #tpu.memory_space<vmem>>) target(%dma_start3A_24 : memref<512xf32, #tpu.memory_space<hbm>>) target_semaphore(%run_scoped3A : memref<!tpu.dma_semaphore, #tpu.memory_space<semaphore_mem>>)
      %dma_wait3A = tpu.memref_slice %arg8[%mul3A_2] : memref<16384xf32, #tpu.memory_space<hbm>> -> memref<512xf32, #tpu.memory_space<hbm>>
      %dma_wait3A_25 = tpu.memref_slice %arg8[%mul3A_2] : memref<16384xf32, #tpu.memory_space<hbm>> -> memref<512xf32, #tpu.memory_space<hbm>>
      tpu.wait_dma2 semaphore(%run_scoped3A : memref<!tpu.dma_semaphore, #tpu.memory_space<semaphore_mem>>) src(%arg15 : memref<512xf32, #tpu.memory_space<vmem>>) dst(%dma_wait3A_25 : memref<512xf32, #tpu.memory_space<hbm>>)
      tpu.yield
    }) : () -> ()
    return
  }
}

</mosaic_0001>

<sc_bundles>
// kernel: _sc_call.3.cloned.1.call-start
scs
__scs_entry_jumppad:
0x0: {  	(pc) =	sbr.rel $0x88, $3  }
0x1: {  	(tag) =	ssettag $0x0;
	lr =	simm.s32 $0x1  }
0x2: {  	[smem:$0x3F9B] =	sst lr;
	_ =	strace $0xD0000000  }
0x3: {  	_ = 	snop  }
0x4: {  	_ = 	snop  }
0x5: {  	_ = 	snop  }
0x6: {  	_ = 	snop  }
0x7: {  	_ = 	snop  }
__scs_overlays_trampoline_lowered:
0x8: {  	[smem:$0x3FAA] =	sst s0  }
0x9: {  	[smem:$0x3FAB] =	sst s1  }
0xa: {  	[smem:$0x3FAC] =	sst s2  }
0xb: {  	[smem:$0x3FAD] =	sst s3  }
0xc: {  	[smem:$0x3FAE] =	sst s4  }
0xd: {  	[smem:$0x3FAF] =	sst s5  }
0xe: {  	[smem:$0x3FB0] =	sst s6  }
0xf: {  	[smem:$0x3FB1] =	sst s7  }
0x10: {  	[smem:$0x3FB2] =	sst s8  }
0x11: {  	[smem:$0x3FB3] =	sst s9;
	s0 =	simm.s32 @!p0 $0x0  }
0x12: {  	s1 =	sld [smem:$0x3F99];
	s0 =	simm.s32 @p0 $0x1  }
0x13: {  	[smem:$0x3FB4] =	sst s0;
	s0 =	simm.s32 @!p1 $0x0  }
0x14: {  	s2 =	sld [smem:$0x3F98];
	s0 =	simm.s32 @p1 $0x1  }
0x15: {  	[smem:$0x3FB5] =	sst s0;
	s0 =	simm.s32 @!p2 $0x0  }
0x16: {  	s3 =	sld [smem:$0x3FDB];
	s0 =	simm.s32 @p2 $0x1  }
0x17: {  	s4 =	simm.s32 $0x1BF5;
	[smem:$0x3FB7] =	sst s0  }
0x18: {  	s0 =	sld [smem:$0x3F9A];
	_ =	swait.ge [sflag:s4], $0x0  }
0x19: {  	s7 =	sld [smem:$0x3F9B]  }
0x1a: {  	s8 =	sadd.s32 $0xFFFFE003, lr  }
0x1b: {  	s9 =	sadd.s32 $0xFFFFFEF7, lr;
	s5 =	simm.s32 $0xFFFFFFFF;
	p2 =	slt.u32 s8, $0xFFFFF086  }
0x1c: {  	p1 =	slt.u32 s9, $0xF7A;
	s5 =	simm.s32 @!p2 $0x0  }
0x1d: {  	s5 =	simm.s32 @p1 $0x1;
	p0 =	seq.s32 s7, s2  }
0x1e: {  	s7 =	smul.u32 @!p0 $0xF7A, s2;
	p2 =	seq.s32 @!p0 s5, $0x0  }
0x1f: {  	s9 =	smul.u32 $0xF7A, s1;
	s8 =	simm.s32 @!p0 $0x1BF5;
	p2 =	por !p2, p0  }
0x20: {  	[sflag:s8] =	ssyncset.s32 @!p0 $0xFFFFF086;
	s6 =	sadd.s32 @!p0 s3, s7;
	s7 =	simm.s32 @!p0 $0x108  }
0x21: {  	s3 =	sadd.s32 s3, s9;
	s6 =	sadd.s32 @!p0 $0x88, s6;
	s7 =	simm.s32 @p2 $0x1082  }
0x22: {  	[simem:s7], [sflag:s8] =	dma.local @!p0 [hbm:s6], $0xF7A  }
0x23: {  	s9 =	sor.u32 $0xD0000000, s2;
	s6 =	simm.s32 $0x108;
	_ =	swait.ge @!p0 [sflag:s8], $0x0  }
0x24: {  	s3 =	sadd.s32 $0x88, s3;
	s6 =	simm.s32 @!p1 $0x1082;
	[sflag:s4] =	ssyncset.s32 $0xFFFFF086  }
0x25: {  	[simem:s6], [sflag:s4] =	dma.local [hbm:s3], $0xF7A  }
0x26: {  	[smem:$0x3F9B] =	sst s1;
	(tag) =	ssettag s2;
	_ =	strace s9  }
0x27: {  	s1 =	sld [smem:$0x3FAB]  }
0x28: {  	s2 =	sld [smem:$0x3FAC]  }
0x29: {  	s4 =	sld [smem:$0x3FAE]  }
0x2a: {  	p0 =	seq.s32 s5, $0x0;
	s5 =	sld [smem:$0x3FAF]  }
0x2b: {  	s6 =	sld [smem:$0x3FB0]  }
0x2c: {  	s7 =	sld [smem:$0x3FB1]  }
0x2d: {  	s3 =	simm.s32 $0x108;
	s8 =	sld [smem:$0x3FB2]  }
0x2e: {  	s3 =	simm.s32 @!p0 $0x1082;
	s9 =	sld [smem:$0x3FB3]  }
0x2f: {  	lr =	sadd.s32 s0, s3;
	s0 =	sld [smem:$0x3FAA]  }
0x30: {  	s3 =	sld [smem:$0x3FAD]  }
0x31: {  	[smem:$0x3FB6] =	sst s10  }
0x32: {  	s10 =	sld [smem:$0x3FB4];
	_ =	sdelay $0x3  }
0x33: {  	p0 =	seq.s32 s10, $0x1;
	s10 =	sld [smem:$0x3FB6];
	_ =	sdelay $0x3  }
0x34: {  	[smem:$0x3FB6] =	sst s10  }
0x35: {  	s10 =	sld [smem:$0x3FB5];
	_ =	sdelay $0x3  }
0x36: {  	p1 =	seq.s32 s10, $0x1;
	s10 =	sld [smem:$0x3FB6];
	_ =	sdelay $0x3  }
0x37: {  	[smem:$0x3FB6] =	sst s10  }
0x38: {  	s10 =	sld [smem:$0x3FB7]  }
0x39: {  	_ = 	snop;
	(pc) =	sbr.ind lr, $3  }
0x3a: {  	_ = 	snop  }
0x3b: {  	_ = 	snop  }
0x3c: {  	p2 =	seq.s32 s10, $0x1;
	s10 =	sld [smem:$0x3FB6]  }
0x3d: {  	_ =	shalt  }
0x3e: {  	_ =	shalt  }
0x3f: {  	_ =	shalt  }
0x40: {  	_ =	shalt  }
0x41: {  	_ =	shalt  }
0x42: {  	_ =	shalt  }
0x43: {  	_ =	shalt  }
0x44: {  	_ =	shalt  }
0x45: {  	_ =	shalt  }
0x46: {  	_ =	shalt  }
0x47: {  	_ =	shalt  }
0x48: {  	_ =	shalt  }
0x49: {  	_ =	shalt  }
0x4a: {  	_ =	shalt  }
0x4b: {  	_ =	shalt  }
0x4c: {  	_ =	shalt  }
0x4d: {  	_ =	shalt  }
0x4e: {  	_ =	shalt  }
0x4f: {  	_ =	shalt  }
0x50: {  	_ =	shalt  }
0x51: {  	_ =	shalt  }
0x52: {  	_ =	shalt  }
0x53: {  	_ =	shalt  }
0x54: {  	_ =	shalt  }
0x55: {  	_ =	shalt  }
0x56: {  	_ =	shalt  }
0x57: {  	_ =	shalt  }
0x58: {  	_ =	shalt  }
0x59: {  	_ =	shalt  }
0x5a: {  	_ =	shalt  }
0x5b: {  	_ =	shalt  }
0x5c: {  	_ =	shalt  }
0x5d: {  	_ =	shalt  }
0x5e: {  	_ =	shalt  }
0x5f: {  	_ =	shalt  }
0x60: {  	_ =	shalt  }
0x61: {  	_ =	shalt  }
0x62: {  	_ =	shalt  }
0x63: {  	_ =	shalt  }
0x64: {  	_ =	shalt  }
0x65: {  	_ =	shalt  }
0x66: {  	_ =	shalt  }
0x67: {  	_ =	shalt  }
0x68: {  	_ =	shalt  }
0x69: {  	_ =	shalt  }
0x6a: {  	_ =	shalt  }
0x6b: {  	_ =	shalt  }
0x6c: {  	_ =	shalt  }
0x6d: {  	_ =	shalt  }
0x6e: {  	_ =	shalt  }
0x6f: {  	_ =	shalt  }
0x70: {  	_ =	shalt  }
0x71: {  	_ =	shalt  }
0x72: {  	_ =	shalt  }
0x73: {  	_ =	shalt  }
0x74: {  	_ =	shalt  }
0x75: {  	_ =	shalt  }
0x76: {  	_ =	shalt  }
0x77: {  	_ =	shalt  }
0x78: {  	_ =	shalt  }
0x79: {  	_ =	shalt  }
0x7a: {  	_ =	shalt  }
0x7b: {  	_ =	shalt  }
0x7c: {  	_ =	shalt  }
0x7d: {  	_ =	shalt  }
0x7e: {  	_ =	shalt  }
0x7f: {  	_ =	shalt  }
0x80: {  	_ =	shalt  }
0x81: {  	_ =	shalt  }
0x82: {  	_ =	shalt  }
0x83: {  	_ =	shalt  }
0x84: {  	_ =	shalt  }
0x85: {  	_ =	shalt  }
0x86: {  	_ =	shalt  }
0x87: {  	_ =	shalt  }
.Lfunc_end0:
.L_simem_size_0:
called_computation_lowered:
.L_overlay_start_0:
0x88: {  	s2 =	sld [smem:$0x3FD9]  }
0x89: {  	s3 =	sld [smem:$0x3FFE];
	_ =	sdelay $0x1  }
0x8a: {  	s1 =	srdreg.scid  }
0x8b: {  	s0 =	sand.u32 $0x1, s1  }
0x8c: {  	s18 =	sshll.u32 s0, $0xA;
	s2 =	sadd.s32 s3, s2  }
0x8d: {  	s2 =	sadd.s32 s2, s18  }
0x8e: {  	[smem:$0x3FC2] =	sst s2  }
0x8f: {  	_ = 	snop  }
0x90: {  	s2 =	sld [smem:$0x3FC9]  }
0x91: {  	s19 =	sld [smem:$0x3FC8]  }
0x92: {  	s4 =	sld [smem:$0x3FC7]  }
0x93: {  	s5 =	sld [smem:$0x3FC6]  }
0x94: {  	s6 =	sld [smem:$0x3FC5]  }
0x95: {  	s7 =	sld [smem:$0x3FC4]  }
0x96: {  	s8 =	sld [smem:$0x3FD0];
	(tm) =	ssettm $0x1  }
0x97: {  	s9 =	sld [smem:$0x3FFB];
	_ =	sdelay $0x3  }
0x98: {  	_ =	strace s9  }
0x99: {  	s9 =	sld [smem:$0x3FFC];
	_ =	sdelay $0x3  }
0x9a: {  	_ =	strace s9  }
0x9b: {  	s9 =	sld [smem:$0x3FFD];
	_ =	sdelay $0x3  }
0x9c: {  	_ =	strace s9  }
0x9d: {  	_ =	strace $0x8FFFFFFF  }
0x9e: {  	s20 =	sld [smem:$0x3FDB];
	_ =	sdelay $0x1  }
0x9f: {  	s10 =	simm.s32 $_scs_section_size  }
0xa0: {  	s11 =	simm.s32 $_size__tile_overlayer_lowered;
	s12 =	simm.s32 $_tile_overlayer_lowered  }
0xa1: {  	s23 =	simm.s32 $0x1BFF;
	s22 =	sshll.u32 s12, $0x1;
	s9 =	sadd.s32 s10, s20  }
0xa2: {  	s13 =	simm.s32 $0x0;
	s21 =	sshll.u32 s11, $0x1;
	s11 =	sadd.s32 s22, s9  }
0xa3: {  	[timem:s13], [sflag:s23] =	dma.local [hbm:s11], s21  }
0xa4: {  	_ =	swait.ge [sflag:s23], s21  }
0xa5: {  	s10 =	ssub.s32 $0x0, s21;
	[sflag:s23] =	ssyncset.done $0x0  }
0xa6: {  	[sflag:s23] =	ssyncadd.s32 s10;
	_ =	sdelay $0x1  }
0xa7: {  	s24 =	simm.s32 $0x1B8B  }
0xa8: {  	_ =	swait.ge [sflag:s24], $0x1  }
0xa9: {  	[sflag:s24] =	ssyncset.done $0x0  }
0xaa: {  	s25 =	simm.s32 $0x1B8E;
	[sflag:s24] =	ssyncadd.s32 $0xFFFFFFFF  }
0xab: {  	s26 =	simm.s32 $execute0_lowered;
	[smem:$0x3FD2] =	sst s25  }
0xac: {  	s10 =	sshll.u32 s26, $0x1;
	_ =	strace $0x80000046;
	[dreg:$0x1] =	wrdreg $0xFFFFFFFF  }
0xad: {  	s28 =	simm.s32 $_size_execute0_lowered;
	s9 =	sadd.s32 s9, s10;
	[dreg:$0x0] =	wrdreg $0x0  }
0xae: {  	s10 =	sshll.u32 s28, $0x1;
	[dreg:$0x2] =	wrdreg s9  }
0xaf: {  	[dreg:$0x3] =	wrdreg s10  }
0xb0: {  	[dreg:$0x4] =	wrdreg $0xC0  }
0xb1: {  	_ =	task [dreg:s13], $0x5FFFF  }
0xb2: {  	[dreg:$0x1] =	wrdreg $0xFFFFFFFF  }
0xb3: {  	[dreg:$0x0] =	wrdreg $0x60  }
0xb4: {  	[dreg:$0x2] =	wrdreg s2  }
0xb5: {  	[dreg:$0x3] =	wrdreg s19  }
0xb6: {  	[dreg:$0x4] =	wrdreg s4  }
0xb7: {  	[dreg:$0x5] =	wrdreg s5  }
0xb8: {  	[dreg:$0x6] =	wrdreg s6  }
0xb9: {  	[dreg:$0x7] =	wrdreg s7  }
0xba: {  	[dreg:$0x8] =	wrdreg s8  }
0xbb: {  	[dreg:$0x9] =	wrdreg $0x9  }
0xbc: {  	_ =	task.clear_ibuf [dreg:s13], $0xAFFFF;
	_ =	strace $0x90000046  }
0xbd: {  	s29 =	simm.s32 $0x9;
	_ =	strace $0x80000048  }
0xbe: {  	_ =	swait.ge [sflag:s29], $0x1  }
0xbf: {  	[sflag:s29] =	ssyncadd.s32 $0xFFFFFFFF  }
0xc0: {  	_ =	strace $0x90000048  }
0xc1: {  	_ =	sfence  }
0xc2: {  	s30 =	sld [smem:$0x0];
	_ =	sdelay $0x2  }
0xc3: {  	s31 =	sshll.u32 s1, $0xD;
	s1 =	sshrl.u32 s1, $0x2  }
0xc4: {  	s3 =	sand.u32 $0x4000, s31;
	s1 =	sadd.s32 s1, s30  }
0xc5: {  	s0 =	sor.u32 s3, s0;
	s1 =	sshll.u32 s1, $0x11  }
0xc6: {  	s0 =	sor.u32 s1, s0  }
0xc7: {  	s0 =	sadd.s32 $0x8F2B, s0  }
0xc8: {  	[sflag:s0] =	ssyncadd.remote.s32 $0x1  }
0xc9: {  	_ =	sfence.sel $0xFFFF  }
0xca: {  	[dreg:$0x0] =	wrdreg $0xFFFFFFFF;
	(pc) =	sbr.abs _section_cstart, $3  }
0xcb: {  	[dreg:$0x1] =	wrdreg $0xFFFFFFFF  }
0xcc: {  	_ =	task.clear_ibuf [dreg:s13], $0x2FFFF;
	_ =	strace $0x9FFFFFFF  }
0xcd: {  	(tm) =	ssettm $0x7FFFFFFF  }
tec
execute0_lowered:
.L_overlay_start_1:
0x0: {  	(tag) =	ssettag $0x1  }
0x1: {  	s0 =	rddreg [dreg:$0x0]  }
0x2: {  	s7 =	rddreg [dreg:$0x1]  }
0x3: {  	s8 =	rddreg [dreg:$0x2]  }
0x4: {  	s1 =	rddreg [dreg:$0x3]  }
0x5: {  	s4 =	rddreg [dreg:$0x5]  }
0x6: {  	s9 =	rddreg [dreg:$0x6]  }
0x7: {  	s5 =	srdreg.scid;
	s2 =	stileid.u32;
	s13 =	simm.s32 $0x1000  }
0x8: {  	s14 =	simm.s32 $0x20000;
	s15 =	simm.s32 $0x6800;
	s16 =	simm.s32 $0xA800  }
0x9: {  	s17 =	simm.s32 $0xC800;
	s18 =	simm.s32 $0xC900;
	s19 =	simm.s32 $0x1  }
0xa: {  	s20 =	simm.s32 $0xC980;
	s21 =	simm.s32 $0x0;
	s6 =	sand.u32 $0x1, s5  }
0xb: {  	s10 =	sshll.u32 s2, $0x1;
	s5 =	simm.s32 $0x0;
	s11 =	ssub.s32 $0x2, s6  }
0xc: {  	s10 =	sor.u32 s6, s10;
	[smem:$0x7FF] =	sst s5;
	s30 =	sshrl.u32 s11, $0x1  }
0xd: {  	s12 =	smul.u32 $0x680, s10;
	_ =	strace $0x80000047;
	s31 =	sshll.u32 s10, $0x9  }
0xe: {  	s10 =	sshll.u32 s10, $0x6;
	s11 =	ssub.s32 s11, s30;
	s7 =	sadd.s32 s7, s31  }
0xf: {  	s8 =	sadd.s32 s8, s31;
	s9 =	sadd.s32 s9, s10;
	s6 =	sadd.s32 s0, s12  }
0x10: {  	s10 =	smax.u32 s11, $0x1;
	s11 =	simm.s32 $0x2;
	s12 =	simm.s32 $0x80  }
.LBB2_1:
0x11: {  	[tilespmem:s5], [sflag:$0x2] =	stream.linear.gather [hbm4b:s6+s5], $0x3400, $0x38;
	[tilespmem:$0xCB80] =	vst v63  }
0x12: {  	_ =	swait.ge [sflag:s11], $0x3400  }
0x13: {  	s0 =	simm.s32 $0x200;
	[sflag:s11] =	ssyncset.done $0x0  }
0x14: {  	s22 =	simm.s32 $0x0;
	s23 =	simm.s32 $0x3400;
	[sflag:s11] =	ssyncadd.s32 $0xFFFFCC00  }
.LBB2_2:
0x15: {  	[tilespmem:s23], [sflag:$0x1] =	stream.indirect.gather [hbm4b:s1+s12], $0x1, s22, s12, $0xb8;
	[tilespmem:$0xCB80] =	vst v63  }
0x16: {  	s22 =	smov.u32 s0;
	p0 =	sne.s32 s0, $0xCE00  }
.Ltmp0:
0x17: {  	s0 =	sadd.s32 $0x200, s0;
	(pc) =	sbr.rel @p0 .LBB2_2-.Ltmp0, $3  }
0x18: {  	_ =	sdelay $0x1  }
0x19: {  	s22 =	sshra.s32 s22, $0x2  }
0x1a: {  	s23 =	sadd.s32 $0x3400, s22  }
0x1b: {  	[tilespmem:s23], [sflag:$0x1] =	stream.indirect.gather [hbm4b:s1+s12], $0x1, s22, s12, $0xb8;
	[tilespmem:$0xCB80] =	vst v63  }
0x1c: {  	_ = 	snop  }
0x1d: {  	[tilespmem:s15], [sflag:$0x2] =	stream.strided.gather [hbm4b:s7+s13], $0x4000, s14, s13, $0x38;
	[tilespmem:$0xCB80] =	vst v63  }
0x1e: {  	_ =	swait.ge [sflag:s11], $0x4000  }
0x1f: {  	[sflag:s11] =	ssyncset.done $0x0  }
0x20: {  	[sflag:s11] =	ssyncadd.s32 $0xFFFFC000  }
0x21: {  	[tilespmem:s16], [sflag:$0x2] =	stream.strided.gather [hbm4b:s8+s13], $0x2000, s14, s13, $0x38;
	[tilespmem:$0xCB80] =	vst v63  }
0x22: {  	_ =	swait.ge [sflag:s11], $0x2000  }
0x23: {  	[sflag:s11] =	ssyncset.done $0x0  }
0x24: {  	[sflag:s11] =	ssyncadd.s32 $0xFFFFE000  }
0x25: {  	s0 =	rddreg [dreg:$0x4]  }
0x26: {  	[tilespmem:s17], [sflag:$0x2] =	stream.linear.gather [hbm4b:s0+s5], $0x100, $0x38;
	[tilespmem:$0xCB80] =	vst v63  }
0x27: {  	_ =	swait.ge [sflag:s11], $0x100  }
0x28: {  	[sflag:s11] =	ssyncset.done $0x0  }
0x29: {  	[sflag:s11] =	ssyncadd.s32 $0xFFFFFF00  }
0x2a: {  	[tilespmem:s18], [sflag:$0x2] =	stream.linear.gather [hbm4b:s4+s5], $0x80, $0x38;
	[tilespmem:$0xCB80] =	vst v63  }
0x2b: {  	_ =	swait.ge [sflag:s11], $0x80  }
0x2c: {  	[sflag:s11] =	ssyncset.done $0x0  }
0x2d: {  	[sflag:s11] =	ssyncadd.s32 $0xFFFFFF80  }
0x2e: {  	_ =	swait.ge [sflag:s19], $0x80  }
0x2f: {  	s0 =	simm.s32 $0x67;
	[sflag:s19] =	ssyncset.done $0x0  }
.LBB2_4:
0x30: {  	p0 =	sne.s32 s0, $0x1;
	s0 =	sadd.s32 $0xFFFFFFFF, s0;
	[sflag:s19] =	ssyncadd.s32 $0xFFFFFF80  }
.Ltmp1:
0x31: {  	(pc) =	sbr.rel @p0 .LBB2_4-.Ltmp1, $3  }
0x32: {  	_ =	sdelay $0x1  }
0x33: {  	_ =	swait.ge [sflag:s19], $0x80  }
0x34: {  	[sflag:s19] =	ssyncset.done $0x0  }
0x35: {  	[sflag:s19] =	ssyncadd.s32 $0xFFFFFF80;
	s22 =	simm.s32 $0x0  }
0x36: {  	s23 =	simm.s32 $0x0;
	s24 =	simm.s32 $0x0;
	s25 =	simm.s32 $0x0;
	v0 =	vld [tilespmem:$0xC900]  }
.LBB2_6:
0x37: {  	s0 =	sshll.u32 s24, $0x2;
	s26 =	sand.u32 $0x7, s23  }
0x38: {  	s0 =	sand.u32 $0xFFFFFE00, s0;
	s26 =	sshll.u32 s26, $0x6  }
0x39: {  	s0 =	sor.u32 s26, s0;
	s26 =	sshll.u32 s25, $0x4  }
0x3a: {  	s31 =	sand.u32 $0x70, s26  }
0x3b: {  	s28 =	sshll.u32 s25, $0x7;
	v1 =	vmov s31  }
0x3c: {  	s28 =	sand.u32 $0xC00, s28  }
0x3d: {  	s3 =	sand.u32 $0x3000, s22;
	s30 =	sadd.s32 $0x6800, s28;
	s0 =	sshrl.u32 s0, $0x2  }
0x3e: {  	s29 =	sadd.s32 $0x3400, s0;
	s31 =	sand.u32 $0x380, s22;
	s0 =	sadd.s32 s3, s30  }
0x3f: {  	s0 =	sadd.s32 s31, s0;
	v4 =	vld [tilespmem:s29+$0x0]  }
0x40: {  	v2 =	vld.idx.msk [tilespmem:v1+s0+$0x0 ss:$0x1], $0xffff  }
0x41: {  	v3 =	vmov v0;
	s31 =	simm.s32 $0x200;
	s0 =	simm.s32 $0x80  }
.LBB2_7:
0x42: {  	s2 =	sand.u32 $0x3000, s31;
	p0 =	seq.s32 s31, $0x3200;
	s31 =	sadd.s32 $0x200, s31  }
.Ltmp2:
0x43: {  	s3 =	sand.u32 $0x380, s0;
	s2 =	sadd.s32 s2, s30;
	(pc) =	sbr.rel @!p0 .LBB2_7-.Ltmp2, $4  }
0x44: {  	s2 =	sadd.s32 s3, s2  }
0x45: {  	s29 =	sadd.s32 $0x200, s29;
	v5 =	vmul.f32 v2, v4;
	v2 =	vld.idx.msk [tilespmem:v1+s2+$0x0 ss:$0x1], $0xffff  }
0x46: {  	v4 =	vld [tilespmem:s29+$0x0]  }
0x47: {  	s0 =	sadd.s32 $0x80, s0;
	v3 =	vadd.f32 v5, v3  }
0x48: {  	_ = 	snop  }
0x49: {  	s0 =	simm.s32 $0x0  }
0x4a: {  	s28 =	sadd.s32 $0xA800, s28;
	s2 =	sand.u32 $0x1000, s0  }
0x4b: {  	s29 =	simm.s32 $0xC800;
	s0 =	sand.u32 $0x380, s0;
	s2 =	sadd.s32 s2, s28;
	v2 =	vmul.f32 v2, v4  }
0x4c: {  	s0 =	sadd.s32 s0, s2;
	v4 =	vld [tilespmem:s29+$0x0]  }
0x4d: {  	v2 =	vadd.f32 v2, v3;
	v3 =	vld.idx.msk [tilespmem:v1+s0+$0x0 ss:$0x1], $0xffff  }
0x4e: {  	s30 =	simm.s32 $0x200;
	s0 =	simm.s32 $0x80  }
.LBB2_9:
0x4f: {  	s2 =	sand.u32 $0x1000, s30;
	p0 =	sne.s32 s30, $0x1800;
	s30 =	sadd.s32 $0x200, s30  }
.Ltmp3:
0x50: {  	s3 =	sand.u32 $0x380, s0;
	s2 =	sadd.s32 s2, s28;
	(pc) =	sbr.rel @p0 .LBB2_9-.Ltmp3, $4  }
0x51: {  	s2 =	sadd.s32 s3, s2  }
0x52: {  	s29 =	sadd.s32 $0x10, s29;
	v5 =	vmul.f32 v4, v3;
	v3 =	vld.idx.msk [tilespmem:v1+s2+$0x0 ss:$0x1], $0xffff  }
0x53: {  	v4 =	vld [tilespmem:s29+$0x0]  }
0x54: {  	s0 =	sadd.s32 $0x80, s0;
	v2 =	vadd.f32 v5, v2  }
0x55: {  	_ = 	snop  }
0x56: {  	s25 =	sadd.s32 $0x1, s25  }
0x57: {  	p0 =	sne.s32 s25, $0x20  }
.Ltmp4:
0x58: {  	v1 =	vmul.f32 v4, v3;
	(pc) =	sbr.rel @p0 .LBB2_6-.Ltmp4, $3  }
0x59: {  	_ = 	snop  }
0x5a: {  	v1 =	vadd.f32 v1, v2;
	_ =	sdelay $0x1  }
0x5b: {  	s24 =	sadd.s32 $0x10, s24;
	s23 =	sadd.s32 $0x1, s23;
	[tilespmem:s26+$0xC980] =	vst v1  }
0x5c: {  	s21 =	sadd.s32 $0x1, s21  }
0x5d: {  	p0 =	sne.s32 s21, s10  }
.Ltmp5:
0x5e: {  	_ = 	snop;
	(pc) =	sbr.rel @p0 .LBB2_1-.Ltmp5, $4  }
0x5f: {  	[hbm4b:s9+s5] =	stream.linear.scatter [tilespmem:s20], [sflag:$0x2], $0x200, $0x38;
	[tilespmem:$0xCB80] =	vst v63  }
0x60: {  	_ =	swait.ge [sflag:s11], $0x200  }
0x61: {  	[sflag:s11] =	ssyncset.done $0x0  }
0x62: {  	[sflag:s11] =	ssyncadd.s32 $0xFFFFFE00  }
0x63: {  	_ =	sfence.sel $0x180000  }
0x64: {  	[bflag:$0x0] =	sbarrier.arrive $0xFFFF  }
0x65: {  	_ =	strace $0x90000047  }
0x66: {  	s0 =	stileid.u32;
	[bflag:$0x2] =	sbarrier.arrive $0xFFFF  }
0x67: {  	p0 =	sne.s32 s0, $0x0;
	s0 =	rddreg [dreg:$0x7]  }
0x68: {  	s0 =	sadd.s32 @!p0 $0x100000, s0  }
0x69: {  	[sflag:s0] =	ssyncadd.tile.s32 @!p0 $0x1;
	_ =	shalt  }
.Lfunc_end2:
_tile_overlayer_lowered:
.L_overlay_start_2:
0x6a: {  	(tag) =	ssettag $0x2  }
0x6b: {  	s0 =	rddreg [dreg:$0x0];
	s2 =	stileid.u32  }
0x6c: {  	s1 =	rddreg [dreg:$0x1];
	p0 =	sne.s32 s2, $0x0  }
0x6d: {  	s3 =	rddreg [dreg:$0x2];
	[bflag:$0x3] =	sbarrier.arrive $0xFFFF;
	s2 =	simm.s32 @!p0 $0x1C02  }
0x6e: {  	[timem:s3], [sflag:s2] =	dma.local @!p0 [hbm:s0], s1  }
0x6f: {  	s0 =	simm.s32 @!p0 $0x2  }
0x70: {  	_ =	swait.ge @!p0 [sflag:s0], s1  }
0x71: {  	s1 =	ssub.s32 @!p0 $0x0, s1;
	[sflag:s0] =	ssyncset.done @!p0 $0x0  }
0x72: {  	[sflag:s0] =	ssyncadd.s32 @!p0 s1  }
0x73: {  	[bflag:$0x3] =	sbarrier.arrive $0xFFFF  }
0x74: {  	_ =	shalt  }

</sc_bundles>
